<compile_context>
chip_gen: v7x
topology: tpu7x:2x2x1
jax: 0.10.2.dev20260603
libtpu: 0.0.44.dev20260713+nightly
codegen_flags: <defaults>
</compile_context>

<pallas_src>
import functools

import jax
import jax.numpy as jnp
from jax.experimental import pallas as pl
from jax.experimental.pallas import tpu as pltpu


def _copy_block_kernel(nb_u, user_ref, item_ref, out_ref):
    i = pl.program_id(0)

    @pl.when(i < nb_u)
    def _():
        out_ref[...] = user_ref[...]

    @pl.when(i >= nb_u)
    def _():
        out_ref[...] = item_ref[...]


def kernel(inputs, user_embedding_weights, item_embedding_weights):
    nu, d = user_embedding_weights.shape
    ni, _ = item_embedding_weights.shape
    w = 128
    f = w // d
    nuw = nu // f
    niw = ni // f
    uw = user_embedding_weights.reshape(nuw, w)
    iw = item_embedding_weights.reshape(niw, w)

    blk = 5_000
    nb_u = nuw // blk
    nb_i = niw // blk
    grid = (nb_u + nb_i,)

    out = pl.pallas_call(
        functools.partial(_copy_block_kernel, nb_u),
        out_shape=jax.ShapeDtypeStruct((nuw + niw, w), user_embedding_weights.dtype),
        grid=grid,
        in_specs=[
            pl.BlockSpec((blk, w), lambda i: (jnp.minimum(i, nb_u - 1), 0)),
            pl.BlockSpec((blk, w), lambda i: (jnp.maximum(i - nb_u, 0), 0)),
        ],
        out_specs=pl.BlockSpec((blk, w), lambda i: (i, 0)),
    )(uw, iw)
    return out.reshape(nu + ni, d)

# --- scband reference (transcript-rebuilt; emitter-appended) ---
"""Pipeline reference for scband-item-user-embedding-5566277616504 (READ-ONLY COPY).

The authoritative reference and input builder live on the scoring server;
editing this copy changes nothing except your own understanding.
"""

import jax, jax.numpy as jnp
import numpy as np

N_USERS = 1000000
N_ITEMS = 100000
EMB_DIM = 32

def setup_inputs(seed: int = 0) -> dict:
    key = jax.random.key(seed)
    k1, k2, k3 = jax.random.split(key, 3)
    inputs = jax.random.randint(k1, (4096,), 0, N_USERS, dtype=jnp.int64) if jax.config.jax_enable_x64 else jax.random.randint(k1, (4096,), 0, N_USERS, dtype=jnp.int32)
    # glorot_uniform init for each table
    limit_u = np.sqrt(6.0 / (N_USERS + EMB_DIM))
    limit_i = np.sqrt(6.0 / (N_ITEMS + EMB_DIM))
    user_embedding_weights = jax.random.uniform(k2, (N_USERS, EMB_DIM), jnp.float32, -limit_u, limit_u)
    item_embedding_weights = jax.random.uniform(k3, (N_ITEMS, EMB_DIM), jnp.float32, -limit_i, limit_i)
    return {"inputs": inputs, "user_embedding_weights": user_embedding_weights, "item_embedding_weights": item_embedding_weights}

def reference(inputs, user_embedding_weights, item_embedding_weights):
    # Faithful to the Keras layer: forward ignores `inputs` and returns the
    # concatenation of user and item embedding tables along axis 0.
    return jnp.concatenate([user_embedding_weights, item_embedding_weights], axis=0)

if __name__ == "__main__":
    import jax
    _d = setup_inputs()
    print(jax.jit(kernel)(*tuple(_d.values())))

</pallas_src>

<mosaic_0001>
module attributes {stable_mosaic.version = 14 : i64} {
  func.func @_copy_block_kernel(%arg0: i32, %arg1: memref<5000x128xf32, #tpu.memory_space<vmem>>, %arg2: memref<5000x128xf32, #tpu.memory_space<vmem>>, %arg3: memref<5000x128xf32, #tpu.memory_space<vmem>>) attributes {dimension_semantics = [#tpu.dimension_semantics<arbitrary>], iteration_bounds = array<i64: 55>, scalar_prefetch = 0 : i64, scratch_operands = 0 : i64, tpu.core_type = #tpu.core_type<tc>, window_params = [{transform_indices = @transform_0, window_bounds = array<i64: 5000, 128>}, {transform_indices = @transform_1, window_bounds = array<i64: 5000, 128>}, {transform_indices = @transform_2, window_bounds = array<i64: 5000, 128>}]} {
    %lt3A = arith.constant 50 : i32
    %lt3A_0 = arith.cmpi slt, %arg0, %lt3A : i32
    %convert_element_type3A = arith.extui %lt3A_0 : i1 to i32
    %cond3A = arith.constant 0 : i32
    %cond3A_1 = arith.cmpi ne, %convert_element_type3A, %cond3A : i32
    scf.if %cond3A_1 {
      %get3A = arith.constant 0 : index
      %get3A_6 = arith.constant 0 : index
      %get3A_7 = vector.load %arg1[%get3A, %get3A_6] : memref<5000x128xf32, #tpu.memory_space<vmem>>, vector<5000x128xf32>
      %swap3A = arith.constant 0 : index
      %swap3A_8 = arith.constant 0 : index
      %swap3A_9 = vector.load %arg3[%swap3A, %swap3A_8] : memref<5000x128xf32, #tpu.memory_space<vmem>>, vector<5000x128xf32>
      tpu.vector_store %arg3[%swap3A, %swap3A_8], %get3A_7 {strides = array<i32>} : memref<5000x128xf32, #tpu.memory_space<vmem>>, vector<5000x128xf32>,
    } else {
    }
    %ge3A = arith.constant 50 : i32
    %ge3A_2 = arith.cmpi sge, %arg0, %ge3A : i32
    %convert_element_type3A_3 = arith.extui %ge3A_2 : i1 to i32
    %cond3A_4 = arith.constant 0 : i32
    %cond3A_5 = arith.cmpi ne, %convert_element_type3A_3, %cond3A_4 : i32
    scf.if %cond3A_5 {
      %get3A = arith.constant 0 : index
      %get3A_6 = arith.constant 0 : index
      %get3A_7 = vector.load %arg2[%get3A, %get3A_6] : memref<5000x128xf32, #tpu.memory_space<vmem>>, vector<5000x128xf32>
      %swap3A = arith.constant 0 : index
      %swap3A_8 = arith.constant 0 : index
      %swap3A_9 = vector.load %arg3[%swap3A, %swap3A_8] : memref<5000x128xf32, #tpu.memory_space<vmem>>, vector<5000x128xf32>
      tpu.vector_store %arg3[%swap3A, %swap3A_8], %get3A_7 {strides = array<i32>} : memref<5000x128xf32, #tpu.memory_space<vmem>>, vector<5000x128xf32>,
    } else {
    }
    return
  }
  func.func @transform_0(%arg0: i32) -> (i32, i32) {
    %min3A = arith.constant 49 : i32
    %min3A_0 = arith.minsi %arg0, %min3A : i32
    %c0_i32 = arith.constant 0 : i32
    %c0_i32_1 = arith.constant 0 : i32
    return %min3A_0, %c0_i32 : i32, i32
  }
  func.func @transform_1(%arg0: i32) -> (i32, i32) {
    %sub3A = arith.constant 50 : i32
    %sub3A_0 = arith.subi %arg0, %sub3A : i32
    %max3A = arith.constant 0 : i32
    %max3A_1 = arith.maxsi %sub3A_0, %max3A : i32
    %c0_i32 = arith.constant 0 : i32
    %c0_i32_2 = arith.constant 0 : i32
    return %max3A_1, %c0_i32 : i32, i32
  }
  func.func @transform_2(%arg0: i32) -> (i32, i32) {
    %c0_i32 = arith.constant 0 : i32
    %c0_i32_0 = arith.constant 0 : i32
    return %arg0, %c0_i32 : i32, i32
  }
}

</mosaic_0001>

<sc_bundles>
// kernel: sparse-core-data-format-call.cloned.1.call-start
scs
called_computation_lowered:
.L_overlay_start_0:
0x0: {  	s2 =	sld [smem:$0x3FD9]  }
0x1: {  	s3 =	sld [smem:$0x3FFE];
	_ =	sdelay $0x1  }
0x2: {  	s1 =	srdreg.scid  }
0x3: {  	s0 =	sand.u32 $0x1, s1  }
0x4: {  	s18 =	sshll.u32 s0, $0xA;
	s2 =	sadd.s32 s3, s2  }
0x5: {  	s2 =	sadd.s32 s2, s18  }
0x6: {  	[smem:$0x3FC6] =	sst s2  }
0x7: {  	_ = 	snop  }
0x8: {  	s2 =	sld [smem:$0x3FD0];
	(tm) =	ssettm $0x1  }
0x9: {  	s19 =	sld [smem:$0x3FFB];
	_ =	sdelay $0x3  }
0xa: {  	_ =	strace s19  }
0xb: {  	s3 =	sld [smem:$0x3FFC];
	_ =	sdelay $0x3  }
0xc: {  	_ =	strace s3  }
0xd: {  	s3 =	sld [smem:$0x3FFD];
	_ =	sdelay $0x3  }
0xe: {  	_ =	strace s3  }
0xf: {  	_ =	strace $0x8FFFFFFF  }
0x10: {  	s20 =	sld [smem:$0x3FDB];
	_ =	sdelay $0x1  }
0x11: {  	s4 =	simm.s32 $_scs_section_size  }
0x12: {  	s5 =	simm.s32 $_size__tile_overlayer_lowered;
	s6 =	simm.s32 $_tile_overlayer_lowered  }
0x13: {  	s23 =	simm.s32 $0x1BFF;
	s22 =	sshll.u32 s6, $0x1;
	s3 =	sadd.s32 s4, s20  }
0x14: {  	s7 =	simm.s32 $0x0;
	s21 =	sshll.u32 s5, $0x1;
	s5 =	sadd.s32 s22, s3  }
0x15: {  	[timem:s7], [sflag:s23] =	dma.local [hbm:s5], s21  }
0x16: {  	_ =	swait.ge [sflag:s23], s21  }
0x17: {  	s4 =	ssub.s32 $0x0, s21;
	[sflag:s23] =	ssyncset.done $0x0  }
0x18: {  	[sflag:s23] =	ssyncadd.s32 s4;
	_ =	sdelay $0x1  }
0x19: {  	s24 =	simm.s32 $0x1B8B  }
0x1a: {  	_ =	swait.ge [sflag:s24], $0x1  }
0x1b: {  	[sflag:s24] =	ssyncset.done $0x0  }
0x1c: {  	s26 =	simm.s32 $0x1B8E;
	s25 =	sld [smem:$0x3FFE];
	[sflag:s24] =	ssyncadd.s32 $0xFFFFFFFF  }
0x1d: {  	s27 =	simm.s32 $execute0_lowered;
	[smem:$0x3FD2] =	sst s26  }
0x1e: {  	s5 =	sshll.u32 s27, $0x1;
	_ =	strace $0x80000046;
	[dreg:$0x1] =	wrdreg $0xFFFFFFFF  }
0x1f: {  	s28 =	simm.s32 $_size_execute0_lowered;
	s3 =	sadd.s32 s3, s5;
	[dreg:$0x0] =	wrdreg $0x0  }
0x20: {  	s5 =	sshll.u32 s28, $0x1;
	[dreg:$0x2] =	wrdreg s3  }
0x21: {  	[dreg:$0x3] =	wrdreg s5  }
0x22: {  	[dreg:$0x4] =	wrdreg $0xC0  }
0x23: {  	_ =	task [dreg:s7], $0x5FFFF  }
0x24: {  	[dreg:$0x1] =	wrdreg $0xFFFFFFFF  }
0x25: {  	[dreg:$0x0] =	wrdreg $0x60  }
0x26: {  	[dreg:$0x2] =	wrdreg s25  }
0x27: {  	[dreg:$0x3] =	wrdreg s2  }
0x28: {  	[dreg:$0x4] =	wrdreg $0x9  }
0x29: {  	_ =	task.clear_ibuf [dreg:s7], $0x5FFFF;
	_ =	strace $0x90000046  }
0x2a: {  	s29 =	simm.s32 $0x9;
	_ =	strace $0x80000048  }
0x2b: {  	_ =	swait.ge [sflag:s29], $0x1  }
0x2c: {  	[sflag:s29] =	ssyncadd.s32 $0xFFFFFFFF  }
0x2d: {  	_ =	strace $0x90000048  }
0x2e: {  	_ =	sfence  }
0x2f: {  	s30 =	sld [smem:$0x0];
	_ =	sdelay $0x2  }
0x30: {  	s31 =	sshll.u32 s1, $0xD;
	s1 =	sshrl.u32 s1, $0x2  }
0x31: {  	s3 =	sand.u32 $0x4000, s31;
	s1 =	sadd.s32 s1, s30  }
0x32: {  	s0 =	sor.u32 s3, s0;
	s1 =	sshll.u32 s1, $0x11  }
0x33: {  	s0 =	sor.u32 s1, s0  }
0x34: {  	s0 =	sadd.s32 $0x8F2B, s0  }
0x35: {  	[sflag:s0] =	ssyncadd.remote.s32 $0x1  }
0x36: {  	_ =	sfence.sel $0xFFFF  }
0x37: {  	[dreg:$0x0] =	wrdreg $0xFFFFFFFF;
	(pc) =	sbr.abs _section_cstart, $3  }
0x38: {  	[dreg:$0x1] =	wrdreg $0xFFFFFFFF  }
0x39: {  	_ =	task.clear_ibuf [dreg:s7], $0x2FFFF;
	_ =	strace $0x9FFFFFFF  }
0x3a: {  	(tm) =	ssettm $0x7FFFFFFF  }
0x3b: {  	_ =	shalt  }
tec
execute0_lowered:
.L_overlay_start_1:
0x0: {  	(tag) =	ssettag $0x1  }
0x1: {  	s4 =	rddreg [dreg:$0x0]  }
0x2: {  	s0 =	srdreg.scid;
	s2 =	rddreg [dreg:$0x1]  }
0x3: {  	s1 =	stileid.u32;
	s5 =	simm.s32 $0x1;
	s0 =	sshll.u32 s0, $0x4  }
0x4: {  	s7 =	simm.s32 $0x2;
	s11 =	simm.s32 $0x0;
	s3 =	sand.u32 $0x10, s0  }
.Ltmp0:
0x5: {  	p0 =	por $0x0, $0x0;
	s3 =	sor.u32 s1, s3;
	(pc) =	sbr.rel .LBB1_1-.Ltmp0, $4  }
0x6: {  	s8 =	simm.s32 $0x864800;
	s10 =	simm.s32 $0x0;
	s3 =	sshll.u32 s3, $0x7  }
0x7: {  	s0 =	rddreg [dreg:$0x2];
	_ =	strace $0x80000047;
	s6 =	ssub.s32 $0x10C880, s3  }
0x8: {  	s4 =	sadd.s32 $0x600, s4;
	[sflag:s5] =	ssyncpa.u1 $0x0;
	s6 =	sshrl.u32 s6, $0xC  }
0x9: {  	[sflag:s7] =	ssyncpa.u1 $0x0;
	s9 =	smov.u32 s3;
	s7 =	sadd.s32 $0x2, s6  }
.LBB1_5:
0xa: {  	s13 =	sadd.s32 $0x1000, s9  }
0xb: {  	p2 =	sgt.s32 s13, $0x10C8DF  }
0xc: {  	s13 =	smov.u32 @p2 s3;
	p2 =	sne.s32 s10, s7  }
.Ltmp1:
0xd: {  	p1 =	slt.u32 s10, $0x2;
	(pc) =	sbr.rel @!p2 .LBB1_6-.Ltmp1, $4  }
0xe: {  	s12 =	simm.s32 @!p1 $0x2  }
0xf: {  	s14 =	sadd.s32 $0x1, s10;
	_ =	swait.ge @!p1 [sflag:s12], $0x1000  }
0x10: {  	s11 =	smov.u32 s9;
	p0 =	por !p0, !p0;
	[sflag:s12] =	ssyncset.done @!p1 $0x0  }
0x11: {  	s10 =	smov.u32 s14;
	s9 =	smov.u32 s13;
	[sflag:s12] =	ssyncadd.s32 @!p1 $0xFFFFF000  }
.LBB1_1:
0x12: {  	p1 =	sgt.u32 s10, s6  }
0x13: {  	s13 =	smov.u32 s9;
	p2 =	sgt.s32 @!p1 s9, $0x10C860  }
0x14: {  	s12 =	sand.u32 @!p1 $0x1FFFFFF, s9;
	s14 =	sshra.s32 @!p1 s9, $0x1F;
	p2 =	por !p2, p1  }
0x15: {  	s15 =	smulhi.u32 @!p1 $0x1E81081, s12;
	s14 =	sand.u32 @!p1 s14, s9;
	s13 =	simm.s32 @p2 $0x10C860  }
0x16: {  	s13 =	ssub.s32 @!p1 s13, s14  }
0x17: {  	s14 =	sshrl.u32 @!p1 s15, $0xD;
	s13 =	sadd.s32 @!p1 $0xFFEF37A0, s13  }
0x18: {  	s15 =	sxor.u32 @!p1 $0xFFFFFFFF, s10;
	s14 =	smul.u32 @!p1 $0x10C8E0, s14;
	s16 =	sshll.u32 @!p1 s13, $0x7  }
0x19: {  	s15 =	sshll.u32 @!p1 s15, $0xC;
	p2 =	sgt.s32 @!p1 s13, $0x7F;
	s13 =	ssub.s32 @!p1 $0x4000, s16  }
0x1a: {  	s12 =	ssub.s32 @!p1 s12, s14;
	p2 =	por !p2, p1;
	s14 =	sand.u32 @!p1 $0x1000, s15  }
0x1b: {  	s15 =	simm.s32 @!p1 $0x20;
	s13 =	sshrl.u32 @!p1 s13, $0x2;
	s12 =	sshll.u32 @!p1 s12, $0x4  }
0x1c: {  	s16 =	simm.s32 @!p1 $0x80;
	s13 =	simm.s32 @!p2 $0x0;
	s12 =	sadd.s32 @!p1 s4, s12  }
0x1d: {  	[tilespmem:s14], [sflag:$0x1] =	stream.strided.gather @!p1 [hbm4b:s12+s15], s13, s16, s15, $0x38;
	[tilespmem:$0x4040] =	vst v63  }
0x1e: {  	p1 =	seq.s32 s10, $0x0  }
0x1f: {  	p2 =	sge.u32 @!p1 s10, s7  }
0x20: {  	p1 =	por p1, p2  }
.Ltmp2:
0x21: {  	_ = 	snop;
	(pc) =	sbr.rel @p1 .LBB1_5-.Ltmp2, $1  }
0x22: {  	_ =	sdelay $0x3  }
0x23: {  	p1 =	sgt.s32 s11, $0x10C860;
	s12 =	smov.u32 s11;
	s13 =	sshra.s32 s11, $0x1F  }
0x24: {  	s12 =	simm.s32 @!p1 $0x10C860;
	s13 =	sand.u32 s13, s11  }
0x25: {  	s12 =	ssub.s32 s12, s13  }
0x26: {  	s12 =	sadd.s32 $0xFFEF37A0, s12  }
0x27: {  	s28 =	sshll.u32 s12, $0x7  }
0x28: {  	s13 =	ssub.s32 $0x4000, s28  }
0x29: {  	p1 =	sgt.s32 s12, $0x7F;
	s12 =	sshrl.u32 s13, $0x2  }
0x2a: {  	s13 =	simm.s32 $0x1;
	s12 =	simm.s32 @p1 $0x0  }
0x2b: {  	s13 =	simm.s32 @!p0 $0x0;
	_ =	swait.ge [sflag:s5], s12  }
0x2c: {  	s14 =	sshll.u32 s13, $0xC;
	s12 =	ssub.s32 $0x0, s12;
	[sflag:s5] =	ssyncset.done $0x0  }
0x2d: {  	s16 =	sor.u32 $0x10, s14;
	[sflag:s5] =	ssyncadd.s32 s12  }
0x2e: {  	s29 =	smul.u32 $0x4080, s13;
	v1 =	vld [tilespmem:s16+$0x0]  }
0x2f: {  	s30 =	sand.u32 $0x1, s10;
	v0 =	vld [tilespmem:s16+$0xFFFFFFF0]  }
0x30: {  	s13 =	smul.u32 $0x4080, s30;
	s12 =	sshrl.u32 s29, $0x2  }
0x31: {  	s14 =	sor.u32 $0x2000, s12  }
0x32: {  	s31 =	sshrl.u32 s13, $0x2;
	s13 =	sadd.s32 $0x0, s14  }
0x33: {  	s15 =	simm.s32 $0x4;
	s12 =	sor.u32 $0x2000, s31;
	s16 =	sadd.s32 $0x20, s16;
	[tilespmem:s13+$0x810 ss:$0x81] =	vst.msk $0xffff, v1  }
.LBB1_3:
0x34: {  	v1 =	vld [tilespmem:s16+$0x0];
	p1 =	sne.s32 s15, $0x1FC;
	[tilespmem:s13+$0x0 ss:$0x81] =	vst.msk $0xffff, v0;
	s13 =	smov.u32 s15;
	s15 =	sadd.s32 $0x4, s15  }
.Ltmp3:
0x35: {  	v0 =	vld [tilespmem:s16+$0xFFFFFFF0];
	(pc) =	sbr.rel @p1 .LBB1_3-.Ltmp3, $4  }
0x36: {  	_ = 	snop  }
0x37: {  	s13 =	sshra.s32 s13, $0x2  }
0x38: {  	s13 =	sadd.s32 s13, s14  }
0x39: {  	s16 =	sadd.s32 $0x20, s16;
	[tilespmem:s13+$0x810 ss:$0x81] =	vst.msk $0xffff, v1  }
0x3a: {  	s14 =	sshll.u32 s11, $0x3  }
0x3b: {  	s30 =	sand.u32 $0x7F, s11;
	s14 =	sand.u32 $0xFFFFFC00, s14  }
0x3c: {  	s11 =	sor.u32 s30, s14  }
0x3d: {  	s15 =	smulhi.u32 $0x3D019BCB, s11;
	_ =	sdelay $0x1  }
0x3e: {  	s14 =	smulhi.u32 $0x3D019BCB, s14;
	s15 =	sshrl.u32 s15, $0x12  }
0x3f: {  	s15 =	smul.u32 $0x10C900, s15  }
0x40: {  	s14 =	sshrl.u32 s14, $0x12  }
.Ltmp4:
0x41: {  	s14 =	sand.u32 $0x1F, s14;
	s11 =	ssub.s32 s11, s15;
	(pc) =	sbr.rel .LBB1_5-.Ltmp4, $4  }
0x42: {  	s14 =	smul.u32 $0x21920, s14;
	s15 =	sshrl.u32 s11, $0x3;
	s11 =	sand.u32 $0x7, s11  }
0x43: {  	s15 =	sadd.s32 s2, s15;
	s11 =	sshll.u32 s11, $0x12  }
0x44: {  	[tilespmem:s13+$0x0 ss:$0x81] =	vst.msk $0xffff, v0;
	s31 =	sadd.s32 s14, s15;
	s11 =	sor.u32 $0x400, s11  }
0x45: {  	[hbm4b:s31+s11] =	stream.strided.scatter [tilespmem:s12], [sflag:$0x2], $0x1000, s8, s11, $0x20;
	[tilespmem:$0x4040] =	vst v63  }
.LBB1_6:
0x46: {  	_ =	sfence.sel $0x180000  }
0x47: {  	s2 =	simm.s32 $0x1;
	[bflag:$0x0] =	sbarrier.arrive $0xFFFF  }
0x48: {  	s31 =	simm.s32 $0x2;
	[sflag:s2] =	ssyncpa.u1 $0x1  }
0x49: {  	[sflag:s31] =	ssyncpa.u1 $0x1  }
0x4a: {  	p0 =	sne.s32 s1, $0x0;
	_ =	strace $0x90000047  }
0x4b: {  	s0 =	sadd.s32 @!p0 $0x100000, s0;
	[bflag:$0x2] =	sbarrier.arrive $0xFFFF  }
0x4c: {  	[sflag:s0] =	ssyncadd.tile.s32 @!p0 $0x1;
	_ =	shalt  }
.Lfunc_end1:
_tile_overlayer_lowered:
.L_overlay_start_2:
0x4d: {  	(tag) =	ssettag $0x2  }
0x4e: {  	s0 =	rddreg [dreg:$0x0];
	s2 =	stileid.u32  }
0x4f: {  	s1 =	rddreg [dreg:$0x1];
	p0 =	sne.s32 s2, $0x0  }
0x50: {  	s3 =	rddreg [dreg:$0x2];
	[bflag:$0x3] =	sbarrier.arrive $0xFFFF;
	s2 =	simm.s32 @!p0 $0x1C01  }
0x51: {  	[timem:s3], [sflag:s2] =	dma.local @!p0 [hbm:s0], s1  }
0x52: {  	s0 =	simm.s32 @!p0 $0x1  }
0x53: {  	_ =	swait.ge @!p0 [sflag:s0], s1  }
0x54: {  	s1 =	ssub.s32 @!p0 $0x0, s1;
	[sflag:s0] =	ssyncset.done @!p0 $0x0  }
0x55: {  	[sflag:s0] =	ssyncadd.s32 @!p0 s1  }
0x56: {  	[bflag:$0x3] =	sbarrier.arrive $0xFFFF  }
0x57: {  	_ =	shalt  }

</sc_bundles>
